<compile_context>
chip_gen: v7x
topology: tpu7x:2x2x1
jax: 0.10.2.dev20260603
libtpu: 0.0.44.dev20260713+nightly
codegen_flags: <defaults>
</compile_context>

<pallas_src>
import functools

import jax
import jax.numpy as jnp
from jax import lax
from jax.experimental import pallas as pl
from jax.experimental.pallas import tpu as pltpu
from jax.experimental.pallas import tpu_sc as plsc

_NOISE_KEY = 42
_noise_cache = {}


def _noise_const(shape):
    if shape not in _noise_cache:
        n = jax.random.normal(jax.random.key(_NOISE_KEY), shape, dtype=jnp.float32)
        _noise_cache[shape] = n.reshape(shape[0] * shape[1], shape[2])
    return _noise_cache[shape]


_kernel_cache = {}


def _sc_gather_add(B, V, D):
    key = (B, V, D)
    if key in _kernel_cache:
        return _kernel_cache[key]

    info = plsc.get_sparse_core_info()
    NC, NS, L = info.num_cores, info.num_subcores, info.num_lanes
    NW = NC * NS
    assert D == 2 * L
    G = 128
    b_per_w = B // NW
    assert b_per_w * NW == B
    C = 1024
    n_chunks = b_per_w // C
    assert n_chunks * C == b_per_w
    n_bursts = C // G

    mesh = plsc.VectorSubcoreMesh(core_axis_name="c", subcore_axis_name="s")

    @functools.partial(
        pl.kernel,
        out_type=jax.ShapeDtypeStruct((B, D), jnp.float32),
        mesh=mesh,
        scratch_types=[
            pltpu.VMEM((n_bursts, G), jnp.int32),
            pltpu.VMEM((C, D), jnp.float32),
            pltpu.VMEM((C, D), jnp.float32),
            pltpu.VMEM((D,), jnp.float32),
            pltpu.SemaphoreType.DMA,
        ],
        compiler_params=pltpu.CompilerParams(use_tc_tiling_on_sc=False),
    )
    def k(idx_hbm, mu_hbm, noise_hbm, scale_hbm, out_hbm,
          idx_v, rows_v, noise_v, scale_v, sem):
        wid = lax.axis_index("s") * NC + lax.axis_index("c")
        base = wid * b_per_w
        pltpu.sync_copy(scale_hbm, scale_v)
        s_lo = scale_v[pl.ds(0, L)]
        s_hi = scale_v[pl.ds(L, L)]

        def chunk(j, carry):
            c_lo, c_hi = carry
            off = base + j * C
            pltpu.sync_copy(idx_hbm.at[pl.ds(pl.multiple_of(off // G, 8), n_bursts)], idx_v)
            copies = [
                pltpu.async_copy(mu_hbm.at[idx_v.at[g]],
                                 rows_v.at[pl.ds(g * G, G)], sem)
                for g in range(n_bursts)
            ]
            pltpu.sync_copy(noise_hbm.at[pl.ds(off, C)], noise_v)
            for cp in copies:
                cp.wait()

            def row(r, c):
                lo, hi = c
                rows_v[r, pl.ds(0, L)] = (rows_v[r, pl.ds(0, L)]
                                          + noise_v[r, pl.ds(0, L)] * lo)
                rows_v[r, pl.ds(L, L)] = (rows_v[r, pl.ds(L, L)]
                                          + noise_v[r, pl.ds(L, L)] * hi)
                return c

            lax.fori_loop(0, C, row, (c_lo, c_hi))
            pltpu.sync_copy(rows_v, out_hbm.at[pl.ds(off, C)])
            return (c_lo, c_hi)

        lax.fori_loop(0, n_chunks, chunk, (s_lo, s_hi))

    _kernel_cache[key] = (k, G)
    return _kernel_cache[key]


def kernel(query_index, weight_mu, weight_logvar):
    Bq, F = query_index.shape
    V, D = weight_mu.shape
    B = Bq * F
    noise = _noise_const((Bq, F, D))
    scale = jnp.exp(0.5 * weight_logvar[0])
    k, G = _sc_gather_add(B, V, D)
    idx = query_index.reshape(B // G, G)
    out = k(idx, weight_mu, noise, scale)
    return out.reshape(Bq, F, D)

# --- scband reference (transcript-rebuilt; emitter-appended) ---
"""Pipeline reference for scband-var-vadembedding-82394652606539 (READ-ONLY COPY).

The authoritative reference and input builder live on the scoring server;
editing this copy changes nothing except your own understanding.
"""

import math
import jax, jax.numpy as jnp
import numpy as np

EMBEDDING_NUMS = 1000000
EMBEDDING_DIMS = 32
BATCH = 16384
FIELDS = 26


def setup_inputs(seed: int = 0) -> dict:
    key = jax.random.key(seed)
    k_idx, k_mu = jax.random.split(key)
    query_index = jax.random.randint(k_idx, (BATCH, FIELDS), 0, EMBEDDING_NUMS, dtype=jnp.int64 if jax.config.jax_enable_x64 else jnp.int32).astype(jnp.int32)
    mu_init_std = 1.0 / math.sqrt(EMBEDDING_DIMS)
    weight_mu = jax.random.normal(k_mu, (EMBEDDING_NUMS, EMBEDDING_DIMS), dtype=jnp.float32) * mu_init_std
    weight_logvar = jnp.ones((EMBEDDING_NUMS, EMBEDDING_DIMS), dtype=jnp.float32) * 0.001
    return {"query_index": query_index, "weight_mu": weight_mu, "weight_logvar": weight_logvar}


def reference(query_index, weight_mu, weight_logvar):
    # gather logvar rows for the queried indices
    lv = jnp.take(weight_logvar, query_index, axis=0)
    # reparameterization noise: randn_like(lv) * exp(0.5 * lv)
    noise = jax.random.normal(jax.random.key(42), lv.shape, dtype=lv.dtype) * jnp.exp(0.5 * lv)
    # train=True path: mu[idx] + noise
    return jnp.take(weight_mu, query_index, axis=0) + noise

if __name__ == "__main__":
    import jax
    _d = setup_inputs()
    print(jax.jit(kernel)(*tuple(_d.values())))

</pallas_src>

<mosaic_0001>
#map = affine_map<(d0, d1) -> (0, 0)>
#map1 = affine_map<(d0, d1) -> (0)>
module attributes {stable_mosaic.version = 14 : i64} {
  func.func @k(%arg0: i32, %arg1: i32, %arg2: memref<3328x128xi32, #tpu.memory_space<hbm>>, %arg3: memref<1000000x32xf32, #tpu.memory_space<hbm>>, %arg4: memref<425984x32xf32, #tpu.memory_space<hbm>>, %arg5: memref<32xf32, #tpu.memory_space<hbm>>, %arg6: memref<425984x32xf32, #tpu.memory_space<hbm>>, %arg7: memref<8x128xi32, #tpu.memory_space<vmem>>, %arg8: memref<1024x32xf32, #tpu.memory_space<vmem>>, %arg9: memref<1024x32xf32, #tpu.memory_space<vmem>>, %arg10: memref<32xf32, #tpu.memory_space<vmem>>, %arg11: memref<!tpu.dma_semaphore, #tpu.memory_space<semaphore_mem>>) attributes {dimension_semantics = [#tpu.dimension_semantics<core_parallel>, #tpu.dimension_semantics<subcore_parallel>], iteration_bounds = array<i64: 2, 16>, scalar_prefetch = 0 : i64, scratch_operands = 5 : i64, tpu.core_type = #tpu.core_type<sc_vector_subcore>, window_params = [{transform_indices = #map}, {transform_indices = #map}, {transform_indices = #map}, {transform_indices = #map1}, {transform_indices = #map}]} {
    %mul3A = arith.constant 2 : i32
    %mul3A_0 = arith.muli %arg1, %mul3A : i32
    %add3A = arith.addi %mul3A_0, %arg0 : i32
    %mul3A_1 = arith.constant 13312 : i32
    %mul3A_2 = arith.muli %add3A, %mul3A_1 : i32
    "tpu.region"() ({
      %run_scoped3A = tpu.sem_alloc : memref<!tpu.dma_semaphore, #tpu.memory_space<semaphore_mem>>
      tpu.enqueue_dma source(%arg5 : memref<32xf32, #tpu.memory_space<hbm>>) target(%arg10 : memref<32xf32, #tpu.memory_space<vmem>>) target_semaphore(%run_scoped3A : memref<!tpu.dma_semaphore, #tpu.memory_space<semaphore_mem>>)
      tpu.wait_dma2 semaphore(%run_scoped3A : memref<!tpu.dma_semaphore, #tpu.memory_space<semaphore_mem>>) src(%arg5 : memref<32xf32, #tpu.memory_space<hbm>>) dst(%arg10 : memref<32xf32, #tpu.memory_space<vmem>>)
      tpu.yield
    }) : () -> ()
    %get3A = arith.constant 0 : index
    %get3A_3 = tpu.vector_load %arg10[%get3A] {strides = array<i32>} : memref<32xf32, #tpu.memory_space<vmem>>, vector<16xf32>,
    %get3A_4 = vector.shape_cast %get3A_3 : vector<16xf32> to vector<16xf32>
    %get3A_5 = arith.constant 16 : index
    %get3A_6 = tpu.vector_load %arg10[%get3A_5] {strides = array<i32>} : memref<32xf32, #tpu.memory_space<vmem>>, vector<16xf32>,
    %get3A_7 = vector.shape_cast %get3A_6 : vector<16xf32> to vector<16xf32>
    %scan3A = arith.constant 0 : i32
    %scan3A_8 = arith.constant 13 : i32
    %scan3A_9 = arith.addi %scan3A, %scan3A_8 : i32
    %scan3A_10 = arith.constant 1 : i32
    scf.for %scan3A_12 = %scan3A to %scan3A_9 step %scan3A_10  : i32 {
      %mul3A_13 = arith.constant 1024 : i32
      %mul3A_14 = arith.muli %scan3A_12, %mul3A_13 : i32
      %add3A_15 = arith.addi %mul3A_2, %mul3A_14 : i32
      %jit3A = arith.constant 128 : i32
      %div3A = arith.divsi %add3A_15, %jit3A : i32
      %sign3A = arith.constant 0 : i32
      %sign3A_16 = arith.cmpi sgt, %add3A_15, %sign3A : i32
      %sign3A_17 = arith.extui %sign3A_16 : i1 to i32
      %sign3A_18 = arith.constant 0 : i32
      %sign3A_19 = arith.cmpi slt, %add3A_15, %sign3A_18 : i32
      %sign3A_20 = arith.extui %sign3A_19 : i1 to i32
      %sign3A_21 = arith.subi %sign3A_17, %sign3A_20 : i32
      %sign3A_22 = arith.constant 0 : i32
      %sign3A_23 = arith.cmpi sgt, %jit3A, %sign3A_22 : i32
      %sign3A_24 = arith.extui %sign3A_23 : i1 to i32
      %sign3A_25 = arith.constant 0 : i32
      %sign3A_26 = arith.cmpi slt, %jit3A, %sign3A_25 : i32
      %sign3A_27 = arith.extui %sign3A_26 : i1 to i32
      %sign3A_28 = arith.subi %sign3A_24, %sign3A_27 : i32
      %ne3A = arith.cmpi ne, %sign3A_21, %sign3A_28 : i32
      %rem3A = arith.remsi %add3A_15, %jit3A : i32
      %ne3A_29 = arith.constant 0 : i32
      %ne3A_30 = arith.cmpi ne, %rem3A, %ne3A_29 : i32
      %and3A = arith.andi %ne3A, %ne3A_30 : i1
      %sub3A = arith.constant 1 : i32
      %sub3A_31 = arith.subi %div3A, %sub3A : i32
      %select_n3A = arith.select %and3A, %sub3A_31, %div3A : i32
      %multiple_of3A = tpu.assume_multiple %select_n3A, 8 : i32
      "tpu.region"() ({
        %run_scoped3A = tpu.sem_alloc : memref<!tpu.dma_semaphore, #tpu.memory_space<semaphore_mem>>
        %dma_start3A_195 = arith.constant 0 : i32
        %dma_start3A_196 = tpu.memref_slice %arg2[%multiple_of3A, %dma_start3A_195] : memref<3328x128xi32, #tpu.memory_space<hbm>> -> memref<8x128xi32, #tpu.memory_space<hbm>>
        %dma_start3A_197 = arith.constant 0 : i32
        %dma_start3A_198 = tpu.memref_slice %arg2[%multiple_of3A, %dma_start3A_197] : memref<3328x128xi32, #tpu.memory_space<hbm>> -> memref<8x128xi32, #tpu.memory_space<hbm>>
        tpu.enqueue_dma source(%dma_start3A_198 : memref<8x128xi32, #tpu.memory_space<hbm>>) target(%arg7 : memref<8x128xi32, #tpu.memory_space<vmem>>) target_semaphore(%run_scoped3A : memref<!tpu.dma_semaphore, #tpu.memory_space<semaphore_mem>>)
        %dma_wait3A_199 = arith.constant 0 : i32
        %dma_wait3A_200 = tpu.memref_slice %arg2[%multiple_of3A, %dma_wait3A_199] : memref<3328x128xi32, #tpu.memory_space<hbm>> -> memref<8x128xi32, #tpu.memory_space<hbm>>
        %dma_wait3A_201 = arith.constant 0 : i32
        %dma_wait3A_202 = tpu.memref_slice %arg2[%multiple_of3A, %dma_wait3A_201] : memref<3328x128xi32, #tpu.memory_space<hbm>> -> memref<8x128xi32, #tpu.memory_space<hbm>>
        tpu.wait_dma2 semaphore(%run_scoped3A : memref<!tpu.dma_semaphore, #tpu.memory_space<semaphore_mem>>) src(%dma_wait3A_202 : memref<8x128xi32, #tpu.memory_space<hbm>>) dst(%arg7 : memref<8x128xi32, #tpu.memory_space<vmem>>)
        tpu.yield
      }) : () -> ()
      %dma_start3A = arith.constant 0 : i32
      %dma_start3A_32 = arith.constant 0 : i32
      %dma_start3A_33 = arith.constant 0 : i32
      %dma_start3A_34 = tpu.memref_slice %arg8[%dma_start3A_32, %dma_start3A_33] : memref<1024x32xf32, #tpu.memory_space<vmem>> -> memref<128x32xf32, #tpu.memory_space<vmem>>
      %dma_start3A_35 = arith.constant 0 : i32
      %dma_start3A_36 = tpu.memref_slice %arg7[%dma_start3A, %dma_start3A_35] : memref<8x128xi32, #tpu.memory_space<vmem>> -> memref<1x128xi32, #tpu.memory_space<vmem>>
      %dma_start3A_37 = tpu.memref_squeeze %dma_start3A_36 : memref<1x128xi32, #tpu.memory_space<vmem>> -> memref<128xi32, #tpu.memory_space<vmem>>
      %dma_start3A_38 = arith.constant 0 : i32
      %dma_start3A_39 = arith.constant 0 : i32
      %dma_start3A_40 = tpu.memref_slice %arg3[%dma_start3A_38, %dma_start3A_39] : memref<1000000x32xf32, #tpu.memory_space<hbm>> -> memref<1000000x32xf32, #tpu.memory_space<hbm>>
      tpu.enqueue_indirect_dma source(%dma_start3A_40 : memref<1000000x32xf32, #tpu.memory_space<hbm>>) target(%dma_start3A_34 : memref<128x32xf32, #tpu.memory_space<vmem>>) offsets(%dma_start3A_37 : memref<128xi32, #tpu.memory_space<vmem>>) semaphore(%arg11 : memref<!tpu.dma_semaphore, #tpu.memory_space<semaphore_mem>>)
      %dma_start3A_41 = arith.constant 1 : i32
      %dma_start3A_42 = arith.constant 128 : i32
      %dma_start3A_43 = arith.constant 0 : i32
      %dma_start3A_44 = tpu.memref_slice %arg8[%dma_start3A_42, %dma_start3A_43] : memref<1024x32xf32, #tpu.memory_space<vmem>> -> memref<128x32xf32, #tpu.memory_space<vmem>>
      %dma_start3A_45 = arith.constant 0 : i32
      %dma_start3A_46 = tpu.memref_slice %arg7[%dma_start3A_41, %dma_start3A_45] : memref<8x128xi32, #tpu.memory_space<vmem>> -> memref<1x128xi32, #tpu.memory_space<vmem>>
      %dma_start3A_47 = tpu.memref_squeeze %dma_start3A_46 : memref<1x128xi32, #tpu.memory_space<vmem>> -> memref<128xi32, #tpu.memory_space<vmem>>
      %dma_start3A_48 = arith.constant 0 : i32
      %dma_start3A_49 = arith.constant 0 : i32
      %dma_start3A_50 = tpu.memref_slice %arg3[%dma_start3A_48, %dma_start3A_49] : memref<1000000x32xf32, #tpu.memory_space<hbm>> -> memref<1000000x32xf32, #tpu.memory_space<hbm>>
      tpu.enqueue_indirect_dma source(%dma_start3A_50 : memref<1000000x32xf32, #tpu.memory_space<hbm>>) target(%dma_start3A_44 : memref<128x32xf32, #tpu.memory_space<vmem>>) offsets(%dma_start3A_47 : memref<128xi32, #tpu.memory_space<vmem>>) semaphore(%arg11 : memref<!tpu.dma_semaphore, #tpu.memory_space<semaphore_mem>>)
      %dma_start3A_51 = arith.constant 2 : i32
      %dma_start3A_52 = arith.constant 256 : i32
      %dma_start3A_53 = arith.constant 0 : i32
      %dma_start3A_54 = tpu.memref_slice %arg8[%dma_start3A_52, %dma_start3A_53] : memref<1024x32xf32, #tpu.memory_space<vmem>> -> memref<128x32xf32, #tpu.memory_space<vmem>>
      %dma_start3A_55 = arith.constant 0 : i32
      %dma_start3A_56 = tpu.memref_slice %arg7[%dma_start3A_51, %dma_start3A_55] : memref<8x128xi32, #tpu.memory_space<vmem>> -> memref<1x128xi32, #tpu.memory_space<vmem>>
      %dma_start3A_57 = tpu.memref_squeeze %dma_start3A_56 : memref<1x128xi32, #tpu.memory_space<vmem>> -> memref<128xi32, #tpu.memory_space<vmem>>
      %dma_start3A_58 = arith.constant 0 : i32
      %dma_start3A_59 = arith.constant 0 : i32
      %dma_start3A_60 = tpu.memref_slice %arg3[%dma_start3A_58, %dma_start3A_59] : memref<1000000x32xf32, #tpu.memory_space<hbm>> -> memref<1000000x32xf32, #tpu.memory_space<hbm>>
      tpu.enqueue_indirect_dma source(%dma_start3A_60 : memref<1000000x32xf32, #tpu.memory_space<hbm>>) target(%dma_start3A_54 : memref<128x32xf32, #tpu.memory_space<vmem>>) offsets(%dma_start3A_57 : memref<128xi32, #tpu.memory_space<vmem>>) semaphore(%arg11 : memref<!tpu.dma_semaphore, #tpu.memory_space<semaphore_mem>>)
      %dma_start3A_61 = arith.constant 3 : i32
      %dma_start3A_62 = arith.constant 384 : i32
      %dma_start3A_63 = arith.constant 0 : i32
      %dma_start3A_64 = tpu.memref_slice %arg8[%dma_start3A_62, %dma_start3A_63] : memref<1024x32xf32, #tpu.memory_space<vmem>> -> memref<128x32xf32, #tpu.memory_space<vmem>>
      %dma_start3A_65 = arith.constant 0 : i32
      %dma_start3A_66 = tpu.memref_slice %arg7[%dma_start3A_61, %dma_start3A_65] : memref<8x128xi32, #tpu.memory_space<vmem>> -> memref<1x128xi32, #tpu.memory_space<vmem>>
      %dma_start3A_67 = tpu.memref_squeeze %dma_start3A_66 : memref<1x128xi32, #tpu.memory_space<vmem>> -> memref<128xi32, #tpu.memory_space<vmem>>
      %dma_start3A_68 = arith.constant 0 : i32
      %dma_start3A_69 = arith.constant 0 : i32
      %dma_start3A_70 = tpu.memref_slice %arg3[%dma_start3A_68, %dma_start3A_69] : memref<1000000x32xf32, #tpu.memory_space<hbm>> -> memref<1000000x32xf32, #tpu.memory_space<hbm>>
      tpu.enqueue_indirect_dma source(%dma_start3A_70 : memref<1000000x32xf32, #tpu.memory_space<hbm>>) target(%dma_start3A_64 : memref<128x32xf32, #tpu.memory_space<vmem>>) offsets(%dma_start3A_67 : memref<128xi32, #tpu.memory_space<vmem>>) semaphore(%arg11 : memref<!tpu.dma_semaphore, #tpu.memory_space<semaphore_mem>>)
      %dma_start3A_71 = arith.constant 4 : i32
      %dma_start3A_72 = arith.constant 512 : i32
      %dma_start3A_73 = arith.constant 0 : i32
      %dma_start3A_74 = tpu.memref_slice %arg8[%dma_start3A_72, %dma_start3A_73] : memref<1024x32xf32, #tpu.memory_space<vmem>> -> memref<128x32xf32, #tpu.memory_space<vmem>>
      %dma_start3A_75 = arith.constant 0 : i32
      %dma_start3A_76 = tpu.memref_slice %arg7[%dma_start3A_71, %dma_start3A_75] : memref<8x128xi32, #tpu.memory_space<vmem>> -> memref<1x128xi32, #tpu.memory_space<vmem>>
      %dma_start3A_77 = tpu.memref_squeeze %dma_start3A_76 : memref<1x128xi32, #tpu.memory_space<vmem>> -> memref<128xi32, #tpu.memory_space<vmem>>
      %dma_start3A_78 = arith.constant 0 : i32
      %dma_start3A_79 = arith.constant 0 : i32
      %dma_start3A_80 = tpu.memref_slice %arg3[%dma_start3A_78, %dma_start3A_79] : memref<1000000x32xf32, #tpu.memory_space<hbm>> -> memref<1000000x32xf32, #tpu.memory_space<hbm>>
      tpu.enqueue_indirect_dma source(%dma_start3A_80 : memref<1000000x32xf32, #tpu.memory_space<hbm>>) target(%dma_start3A_74 : memref<128x32xf32, #tpu.memory_space<vmem>>) offsets(%dma_start3A_77 : memref<128xi32, #tpu.memory_space<vmem>>) semaphore(%arg11 : memref<!tpu.dma_semaphore, #tpu.memory_space<semaphore_mem>>)
      %dma_start3A_81 = arith.constant 5 : i32
      %dma_start3A_82 = arith.constant 640 : i32
      %dma_start3A_83 = arith.constant 0 : i32
      %dma_start3A_84 = tpu.memref_slice %arg8[%dma_start3A_82, %dma_start3A_83] : memref<1024x32xf32, #tpu.memory_space<vmem>> -> memref<128x32xf32, #tpu.memory_space<vmem>>
      %dma_start3A_85 = arith.constant 0 : i32
      %dma_start3A_86 = tpu.memref_slice %arg7[%dma_start3A_81, %dma_start3A_85] : memref<8x128xi32, #tpu.memory_space<vmem>> -> memref<1x128xi32, #tpu.memory_space<vmem>>
      %dma_start3A_87 = tpu.memref_squeeze %dma_start3A_86 : memref<1x128xi32, #tpu.memory_space<vmem>> -> memref<128xi32, #tpu.memory_space<vmem>>
      %dma_start3A_88 = arith.constant 0 : i32
      %dma_start3A_89 = arith.constant 0 : i32
      %dma_start3A_90 = tpu.memref_slice %arg3[%dma_start3A_88, %dma_start3A_89] : memref<1000000x32xf32, #tpu.memory_space<hbm>> -> memref<1000000x32xf32, #tpu.memory_space<hbm>>
      tpu.enqueue_indirect_dma source(%dma_start3A_90 : memref<1000000x32xf32, #tpu.memory_space<hbm>>) target(%dma_start3A_84 : memref<128x32xf32, #tpu.memory_space<vmem>>) offsets(%dma_start3A_87 : memref<128xi32, #tpu.memory_space<vmem>>) semaphore(%arg11 : memref<!tpu.dma_semaphore, #tpu.memory_space<semaphore_mem>>)
      %dma_start3A_91 = arith.constant 6 : i32
      %dma_start3A_92 = arith.constant 768 : i32
      %dma_start3A_93 = arith.constant 0 : i32
      %dma_start3A_94 = tpu.memref_slice %arg8[%dma_start3A_92, %dma_start3A_93] : memref<1024x32xf32, #tpu.memory_space<vmem>> -> memref<128x32xf32, #tpu.memory_space<vmem>>
      %dma_start3A_95 = arith.constant 0 : i32
      %dma_start3A_96 = tpu.memref_slice %arg7[%dma_start3A_91, %dma_start3A_95] : memref<8x128xi32, #tpu.memory_space<vmem>> -> memref<1x128xi32, #tpu.memory_space<vmem>>
      %dma_start3A_97 = tpu.memref_squeeze %dma_start3A_96 : memref<1x128xi32, #tpu.memory_space<vmem>> -> memref<128xi32, #tpu.memory_space<vmem>>
      %dma_start3A_98 = arith.constant 0 : i32
      %dma_start3A_99 = arith.constant 0 : i32
      %dma_start3A_100 = tpu.memref_slice %arg3[%dma_start3A_98, %dma_start3A_99] : memref<1000000x32xf32, #tpu.memory_space<hbm>> -> memref<1000000x32xf32, #tpu.memory_space<hbm>>
      tpu.enqueue_indirect_dma source(%dma_start3A_100 : memref<1000000x32xf32, #tpu.memory_space<hbm>>) target(%dma_start3A_94 : memref<128x32xf32, #tpu.memory_space<vmem>>) offsets(%dma_start3A_97 : memref<128xi32, #tpu.memory_space<vmem>>) semaphore(%arg11 : memref<!tpu.dma_semaphore, #tpu.memory_space<semaphore_mem>>)
      %dma_start3A_101 = arith.constant 7 : i32
      %dma_start3A_102 = arith.constant 896 : i32
      %dma_start3A_103 = arith.constant 0 : i32
      %dma_start3A_104 = tpu.memref_slice %arg8[%dma_start3A_102, %dma_start3A_103] : memref<1024x32xf32, #tpu.memory_space<vmem>> -> memref<128x32xf32, #tpu.memory_space<vmem>>
      %dma_start3A_105 = arith.constant 0 : i32
      %dma_start3A_106 = tpu.memref_slice %arg7[%dma_start3A_101, %dma_start3A_105] : memref<8x128xi32, #tpu.memory_space<vmem>> -> memref<1x128xi32, #tpu.memory_space<vmem>>
      %dma_start3A_107 = tpu.memref_squeeze %dma_start3A_106 : memref<1x128xi32, #tpu.memory_space<vmem>> -> memref<128xi32, #tpu.memory_space<vmem>>
      %dma_start3A_108 = arith.constant 0 : i32
      %dma_start3A_109 = arith.constant 0 : i32
      %dma_start3A_110 = tpu.memref_slice %arg3[%dma_start3A_108, %dma_start3A_109] : memref<1000000x32xf32, #tpu.memory_space<hbm>> -> memref<1000000x32xf32, #tpu.memory_space<hbm>>
      tpu.enqueue_indirect_dma source(%dma_start3A_110 : memref<1000000x32xf32, #tpu.memory_space<hbm>>) target(%dma_start3A_104 : memref<128x32xf32, #tpu.memory_space<vmem>>) offsets(%dma_start3A_107 : memref<128xi32, #tpu.memory_space<vmem>>) semaphore(%arg11 : memref<!tpu.dma_semaphore, #tpu.memory_space<semaphore_mem>>)
      "tpu.region"() ({
        %run_scoped3A = tpu.sem_alloc : memref<!tpu.dma_semaphore, #tpu.memory_space<semaphore_mem>>
        %dma_start3A_195 = arith.constant 0 : i32
        %dma_start3A_196 = tpu.memref_slice %arg4[%add3A_15, %dma_start3A_195] : memref<425984x32xf32, #tpu.memory_space<hbm>> -> memref<1024x32xf32, #tpu.memory_space<hbm>>
        %dma_start3A_197 = arith.constant 0 : i32
        %dma_start3A_198 = tpu.memref_slice %arg4[%add3A_15, %dma_start3A_197] : memref<425984x32xf32, #tpu.memory_space<hbm>> -> memref<1024x32xf32, #tpu.memory_space<hbm>>
        tpu.enqueue_dma source(%dma_start3A_198 : memref<1024x32xf32, #tpu.memory_space<hbm>>) target(%arg9 : memref<1024x32xf32, #tpu.memory_space<vmem>>) target_semaphore(%run_scoped3A : memref<!tpu.dma_semaphore, #tpu.memory_space<semaphore_mem>>)
        %dma_wait3A_199 = arith.constant 0 : i32
        %dma_wait3A_200 = tpu.memref_slice %arg4[%add3A_15, %dma_wait3A_199] : memref<425984x32xf32, #tpu.memory_space<hbm>> -> memref<1024x32xf32, #tpu.memory_space<hbm>>
        %dma_wait3A_201 = arith.constant 0 : i32
        %dma_wait3A_202 = tpu.memref_slice %arg4[%add3A_15, %dma_wait3A_201] : memref<425984x32xf32, #tpu.memory_space<hbm>> -> memref<1024x32xf32, #tpu.memory_space<hbm>>
        tpu.wait_dma2 semaphore(%run_scoped3A : memref<!tpu.dma_semaphore, #tpu.memory_space<semaphore_mem>>) src(%dma_wait3A_202 : memref<1024x32xf32, #tpu.memory_space<hbm>>) dst(%arg9 : memref<1024x32xf32, #tpu.memory_space<vmem>>)
        tpu.yield
      }) : () -> ()
      %dma_wait3A = arith.constant 0 : i32
      %dma_wait3A_111 = arith.constant 0 : i32
      %dma_wait3A_112 = arith.constant 0 : i32
      %dma_wait3A_113 = tpu.memref_slice %arg8[%dma_wait3A_111, %dma_wait3A_112] : memref<1024x32xf32, #tpu.memory_space<vmem>> -> memref<128x32xf32, #tpu.memory_space<vmem>>
      %dma_wait3A_114 = arith.constant 0 : i32
      %dma_wait3A_115 = tpu.memref_slice %arg7[%dma_wait3A, %dma_wait3A_114] : memref<8x128xi32, #tpu.memory_space<vmem>> -> memref<1x128xi32, #tpu.memory_space<vmem>>
      %dma_wait3A_116 = tpu.memref_squeeze %dma_wait3A_115 : memref<1x128xi32, #tpu.memory_space<vmem>> -> memref<128xi32, #tpu.memory_space<vmem>>
      %dma_wait3A_117 = arith.constant 0 : i32
      %dma_wait3A_118 = arith.constant 0 : i32
      %dma_wait3A_119 = tpu.memref_slice %arg3[%dma_wait3A_117, %dma_wait3A_118] : memref<1000000x32xf32, #tpu.memory_space<hbm>> -> memref<1000000x32xf32, #tpu.memory_space<hbm>>
      tpu.wait_indirect_dma semaphore(%arg11 : memref<!tpu.dma_semaphore, #tpu.memory_space<semaphore_mem>>) src(%dma_wait3A_119 : memref<1000000x32xf32, #tpu.memory_space<hbm>>) dst(%dma_wait3A_113 : memref<128x32xf32, #tpu.memory_space<vmem>>)
      %dma_wait3A_120 = arith.constant 1 : i32
      %dma_wait3A_121 = arith.constant 128 : i32
      %dma_wait3A_122 = arith.constant 0 : i32
      %dma_wait3A_123 = tpu.memref_slice %arg8[%dma_wait3A_121, %dma_wait3A_122] : memref<1024x32xf32, #tpu.memory_space<vmem>> -> memref<128x32xf32, #tpu.memory_space<vmem>>
      %dma_wait3A_124 = arith.constant 0 : i32
      %dma_wait3A_125 = tpu.memref_slice %arg7[%dma_wait3A_120, %dma_wait3A_124] : memref<8x128xi32, #tpu.memory_space<vmem>> -> memref<1x128xi32, #tpu.memory_space<vmem>>
      %dma_wait3A_126 = tpu.memref_squeeze %dma_wait3A_125 : memref<1x128xi32, #tpu.memory_space<vmem>> -> memref<128xi32, #tpu.memory_space<vmem>>
      %dma_wait3A_127 = arith.constant 0 : i32
      %dma_wait3A_128 = arith.constant 0 : i32
      %dma_wait3A_129 = tpu.memref_slice %arg3[%dma_wait3A_127, %dma_wait3A_128] : memref<1000000x32xf32, #tpu.memory_space<hbm>> -> memref<1000000x32xf32, #tpu.memory_space<hbm>>
      tpu.wait_indirect_dma semaphore(%arg11 : memref<!tpu.dma_semaphore, #tpu.memory_space<semaphore_mem>>) src(%dma_wait3A_129 : memref<1000000x32xf32, #tpu.memory_space<hbm>>) dst(%dma_wait3A_123 : memref<128x32xf32, #tpu.memory_space<vmem>>)
      %dma_wait3A_130 = arith.constant 2 : i32
      %dma_wait3A_131 = arith.constant 256 : i32
      %dma_wait3A_132 = arith.constant 0 : i32
      %dma_wait3A_133 = tpu.memref_slice %arg8[%dma_wait3A_131, %dma_wait3A_132] : memref<1024x32xf32, #tpu.memory_space<vmem>> -> memref<128x32xf32, #tpu.memory_space<vmem>>
      %dma_wait3A_134 = arith.constant 0 : i32
      %dma_wait3A_135 = tpu.memref_slice %arg7[%dma_wait3A_130, %dma_wait3A_134] : memref<8x128xi32, #tpu.memory_space<vmem>> -> memref<1x128xi32, #tpu.memory_space<vmem>>
      %dma_wait3A_136 = tpu.memref_squeeze %dma_wait3A_135 : memref<1x128xi32, #tpu.memory_space<vmem>> -> memref<128xi32, #tpu.memory_space<vmem>>
      %dma_wait3A_137 = arith.constant 0 : i32
      %dma_wait3A_138 = arith.constant 0 : i32
      %dma_wait3A_139 = tpu.memref_slice %arg3[%dma_wait3A_137, %dma_wait3A_138] : memref<1000000x32xf32, #tpu.memory_space<hbm>> -> memref<1000000x32xf32, #tpu.memory_space<hbm>>
      tpu.wait_indirect_dma semaphore(%arg11 : memref<!tpu.dma_semaphore, #tpu.memory_space<semaphore_mem>>) src(%dma_wait3A_139 : memref<1000000x32xf32, #tpu.memory_space<hbm>>) dst(%dma_wait3A_133 : memref<128x32xf32, #tpu.memory_space<vmem>>)
      %dma_wait3A_140 = arith.constant 3 : i32
      %dma_wait3A_141 = arith.constant 384 : i32
      %dma_wait3A_142 = arith.constant 0 : i32
      %dma_wait3A_143 = tpu.memref_slice %arg8[%dma_wait3A_141, %dma_wait3A_142] : memref<1024x32xf32, #tpu.memory_space<vmem>> -> memref<128x32xf32, #tpu.memory_space<vmem>>
      %dma_wait3A_144 = arith.constant 0 : i32
      %dma_wait3A_145 = tpu.memref_slice %arg7[%dma_wait3A_140, %dma_wait3A_144] : memref<8x128xi32, #tpu.memory_space<vmem>> -> memref<1x128xi32, #tpu.memory_space<vmem>>
      %dma_wait3A_146 = tpu.memref_squeeze %dma_wait3A_145 : memref<1x128xi32, #tpu.memory_space<vmem>> -> memref<128xi32, #tpu.memory_space<vmem>>
      %dma_wait3A_147 = arith.constant 0 : i32
      %dma_wait3A_148 = arith.constant 0 : i32
      %dma_wait3A_149 = tpu.memref_slice %arg3[%dma_wait3A_147, %dma_wait3A_148] : memref<1000000x32xf32, #tpu.memory_space<hbm>> -> memref<1000000x32xf32, #tpu.memory_space<hbm>>
      tpu.wait_indirect_dma semaphore(%arg11 : memref<!tpu.dma_semaphore, #tpu.memory_space<semaphore_mem>>) src(%dma_wait3A_149 : memref<1000000x32xf32, #tpu.memory_space<hbm>>) dst(%dma_wait3A_143 : memref<128x32xf32, #tpu.memory_space<vmem>>)
      %dma_wait3A_150 = arith.constant 4 : i32
      %dma_wait3A_151 = arith.constant 512 : i32
      %dma_wait3A_152 = arith.constant 0 : i32
      %dma_wait3A_153 = tpu.memref_slice %arg8[%dma_wait3A_151, %dma_wait3A_152] : memref<1024x32xf32, #tpu.memory_space<vmem>> -> memref<128x32xf32, #tpu.memory_space<vmem>>
      %dma_wait3A_154 = arith.constant 0 : i32
      %dma_wait3A_155 = tpu.memref_slice %arg7[%dma_wait3A_150, %dma_wait3A_154] : memref<8x128xi32, #tpu.memory_space<vmem>> -> memref<1x128xi32, #tpu.memory_space<vmem>>
      %dma_wait3A_156 = tpu.memref_squeeze %dma_wait3A_155 : memref<1x128xi32, #tpu.memory_space<vmem>> -> memref<128xi32, #tpu.memory_space<vmem>>
      %dma_wait3A_157 = arith.constant 0 : i32
      %dma_wait3A_158 = arith.constant 0 : i32
      %dma_wait3A_159 = tpu.memref_slice %arg3[%dma_wait3A_157, %dma_wait3A_158] : memref<1000000x32xf32, #tpu.memory_space<hbm>> -> memref<1000000x32xf32, #tpu.memory_space<hbm>>
      tpu.wait_indirect_dma semaphore(%arg11 : memref<!tpu.dma_semaphore, #tpu.memory_space<semaphore_mem>>) src(%dma_wait3A_159 : memref<1000000x32xf32, #tpu.memory_space<hbm>>) dst(%dma_wait3A_153 : memref<128x32xf32, #tpu.memory_space<vmem>>)
      %dma_wait3A_160 = arith.constant 5 : i32
      %dma_wait3A_161 = arith.constant 640 : i32
      %dma_wait3A_162 = arith.constant 0 : i32
      %dma_wait3A_163 = tpu.memref_slice %arg8[%dma_wait3A_161, %dma_wait3A_162] : memref<1024x32xf32, #tpu.memory_space<vmem>> -> memref<128x32xf32, #tpu.memory_space<vmem>>
      %dma_wait3A_164 = arith.constant 0 : i32
      %dma_wait3A_165 = tpu.memref_slice %arg7[%dma_wait3A_160, %dma_wait3A_164] : memref<8x128xi32, #tpu.memory_space<vmem>> -> memref<1x128xi32, #tpu.memory_space<vmem>>
      %dma_wait3A_166 = tpu.memref_squeeze %dma_wait3A_165 : memref<1x128xi32, #tpu.memory_space<vmem>> -> memref<128xi32, #tpu.memory_space<vmem>>
      %dma_wait3A_167 = arith.constant 0 : i32
      %dma_wait3A_168 = arith.constant 0 : i32
      %dma_wait3A_169 = tpu.memref_slice %arg3[%dma_wait3A_167, %dma_wait3A_168] : memref<1000000x32xf32, #tpu.memory_space<hbm>> -> memref<1000000x32xf32, #tpu.memory_space<hbm>>
      tpu.wait_indirect_dma semaphore(%arg11 : memref<!tpu.dma_semaphore, #tpu.memory_space<semaphore_mem>>) src(%dma_wait3A_169 : memref<1000000x32xf32, #tpu.memory_space<hbm>>) dst(%dma_wait3A_163 : memref<128x32xf32, #tpu.memory_space<vmem>>)
      %dma_wait3A_170 = arith.constant 6 : i32
      %dma_wait3A_171 = arith.constant 768 : i32
      %dma_wait3A_172 = arith.constant 0 : i32
      %dma_wait3A_173 = tpu.memref_slice %arg8[%dma_wait3A_171, %dma_wait3A_172] : memref<1024x32xf32, #tpu.memory_space<vmem>> -> memref<128x32xf32, #tpu.memory_space<vmem>>
      %dma_wait3A_174 = arith.constant 0 : i32
      %dma_wait3A_175 = tpu.memref_slice %arg7[%dma_wait3A_170, %dma_wait3A_174] : memref<8x128xi32, #tpu.memory_space<vmem>> -> memref<1x128xi32, #tpu.memory_space<vmem>>
      %dma_wait3A_176 = tpu.memref_squeeze %dma_wait3A_175 : memref<1x128xi32, #tpu.memory_space<vmem>> -> memref<128xi32, #tpu.memory_space<vmem>>
      %dma_wait3A_177 = arith.constant 0 : i32
      %dma_wait3A_178 = arith.constant 0 : i32
      %dma_wait3A_179 = tpu.memref_slice %arg3[%dma_wait3A_177, %dma_wait3A_178] : memref<1000000x32xf32, #tpu.memory_space<hbm>> -> memref<1000000x32xf32, #tpu.memory_space<hbm>>
      tpu.wait_indirect_dma semaphore(%arg11 : memref<!tpu.dma_semaphore, #tpu.memory_space<semaphore_mem>>) src(%dma_wait3A_179 : memref<1000000x32xf32, #tpu.memory_space<hbm>>) dst(%dma_wait3A_173 : memref<128x32xf32, #tpu.memory_space<vmem>>)
      %dma_wait3A_180 = arith.constant 7 : i32
      %dma_wait3A_181 = arith.constant 896 : i32
      %dma_wait3A_182 = arith.constant 0 : i32
      %dma_wait3A_183 = tpu.memref_slice %arg8[%dma_wait3A_181, %dma_wait3A_182] : memref<1024x32xf32, #tpu.memory_space<vmem>> -> memref<128x32xf32, #tpu.memory_space<vmem>>
      %dma_wait3A_184 = arith.constant 0 : i32
      %dma_wait3A_185 = tpu.memref_slice %arg7[%dma_wait3A_180, %dma_wait3A_184] : memref<8x128xi32, #tpu.memory_space<vmem>> -> memref<1x128xi32, #tpu.memory_space<vmem>>
      %dma_wait3A_186 = tpu.memref_squeeze %dma_wait3A_185 : memref<1x128xi32, #tpu.memory_space<vmem>> -> memref<128xi32, #tpu.memory_space<vmem>>
      %dma_wait3A_187 = arith.constant 0 : i32
      %dma_wait3A_188 = arith.constant 0 : i32
      %dma_wait3A_189 = tpu.memref_slice %arg3[%dma_wait3A_187, %dma_wait3A_188] : memref<1000000x32xf32, #tpu.memory_space<hbm>> -> memref<1000000x32xf32, #tpu.memory_space<hbm>>
      tpu.wait_indirect_dma semaphore(%arg11 : memref<!tpu.dma_semaphore, #tpu.memory_space<semaphore_mem>>) src(%dma_wait3A_189 : memref<1000000x32xf32, #tpu.memory_space<hbm>>) dst(%dma_wait3A_183 : memref<128x32xf32, #tpu.memory_space<vmem>>)
      %scan3A_190 = arith.constant 0 : i32
      %scan3A_191 = arith.constant 1024 : i32
      %scan3A_192 = arith.addi %scan3A_190, %scan3A_191 : i32
      %scan3A_193 = arith.constant 1 : i32
      scf.for %scan3A_195 = %scan3A_190 to %scan3A_192 step %scan3A_193  : i32 {
        %get3A_196 = arith.index_cast %scan3A_195 : i32 to index
        %get3A_197 = arith.constant 0 : index
        %get3A_198 = tpu.vector_load %arg8[%get3A_196, %get3A_197] {strides = array<i32>} : memref<1024x32xf32, #tpu.memory_space<vmem>>, vector<1x16xf32>,
        %get3A_199 = vector.shape_cast %get3A_198 : vector<1x16xf32> to vector<16xf32>
        %get3A_200 = arith.index_cast %scan3A_195 : i32 to index
        %get3A_201 = arith.constant 0 : index
        %get3A_202 = tpu.vector_load %arg9[%get3A_200, %get3A_201] {strides = array<i32>} : memref<1024x32xf32, #tpu.memory_space<vmem>>, vector<1x16xf32>,
        %get3A_203 = vector.shape_cast %get3A_202 : vector<1x16xf32> to vector<16xf32>
        %mul3A_204 = arith.mulf %get3A_203, %get3A_4 : vector<16xf32>
        %add3A_205 = arith.addf %get3A_199, %mul3A_204 : vector<16xf32>
        %swap3A = arith.index_cast %scan3A_195 : i32 to index
        %swap3A_206 = arith.constant 0 : index
        %swap3A_207 = tpu.vector_load %arg8[%swap3A, %swap3A_206] {strides = array<i32>} : memref<1024x32xf32, #tpu.memory_space<vmem>>, vector<1x16xf32>,
        %swap3A_208 = vector.shape_cast %swap3A_207 : vector<1x16xf32> to vector<16xf32>
        %swap3A_209 = vector.shape_cast %add3A_205 : vector<16xf32> to vector<1x16xf32>
        tpu.vector_store %arg8[%swap3A, %swap3A_206], %swap3A_209 {strides = array<i32>} : memref<1024x32xf32, #tpu.memory_space<vmem>>, vector<1x16xf32>,
        %get3A_210 = arith.index_cast %scan3A_195 : i32 to index
        %get3A_211 = arith.constant 16 : index
        %get3A_212 = tpu.vector_load %arg8[%get3A_210, %get3A_211] {strides = array<i32>} : memref<1024x32xf32, #tpu.memory_space<vmem>>, vector<1x16xf32>,
        %get3A_213 = vector.shape_cast %get3A_212 : vector<1x16xf32> to vector<16xf32>
        %get3A_214 = arith.index_cast %scan3A_195 : i32 to index
        %get3A_215 = arith.constant 16 : index
        %get3A_216 = tpu.vector_load %arg9[%get3A_214, %get3A_215] {strides = array<i32>} : memref<1024x32xf32, #tpu.memory_space<vmem>>, vector<1x16xf32>,
        %get3A_217 = vector.shape_cast %get3A_216 : vector<1x16xf32> to vector<16xf32>
        %mul3A_218 = arith.mulf %get3A_217, %get3A_7 : vector<16xf32>
        %add3A_219 = arith.addf %get3A_213, %mul3A_218 : vector<16xf32>
        %swap3A_220 = arith.index_cast %scan3A_195 : i32 to index
        %swap3A_221 = arith.constant 16 : index
        %swap3A_222 = tpu.vector_load %arg8[%swap3A_220, %swap3A_221] {strides = array<i32>} : memref<1024x32xf32, #tpu.memory_space<vmem>>, vector<1x16xf32>,
        %swap3A_223 = vector.shape_cast %swap3A_222 : vector<1x16xf32> to vector<16xf32>
        %swap3A_224 = vector.shape_cast %add3A_219 : vector<16xf32> to vector<1x16xf32>
        tpu.vector_store %arg8[%swap3A_220, %swap3A_221], %swap3A_224 {strides = array<i32>} : memref<1024x32xf32, #tpu.memory_space<vmem>>, vector<1x16xf32>,
      }
      %scan3A_194 = arith.constant 1024 : i32
      "tpu.region"() ({
        %run_scoped3A = tpu.sem_alloc : memref<!tpu.dma_semaphore, #tpu.memory_space<semaphore_mem>>
        %dma_start3A_195 = arith.constant 0 : i32
        %dma_start3A_196 = tpu.memref_slice %arg6[%add3A_15, %dma_start3A_195] : memref<425984x32xf32, #tpu.memory_space<hbm>> -> memref<1024x32xf32, #tpu.memory_space<hbm>>
        %dma_start3A_197 = arith.constant 0 : i32
        %dma_start3A_198 = tpu.memref_slice %arg6[%add3A_15, %dma_start3A_197] : memref<425984x32xf32, #tpu.memory_space<hbm>> -> memref<1024x32xf32, #tpu.memory_space<hbm>>
        tpu.enqueue_dma source(%arg8 : memref<1024x32xf32, #tpu.memory_space<vmem>>) target(%dma_start3A_198 : memref<1024x32xf32, #tpu.memory_space<hbm>>) target_semaphore(%run_scoped3A : memref<!tpu.dma_semaphore, #tpu.memory_space<semaphore_mem>>)
        %dma_wait3A_199 = arith.constant 0 : i32
        %dma_wait3A_200 = tpu.memref_slice %arg6[%add3A_15, %dma_wait3A_199] : memref<425984x32xf32, #tpu.memory_space<hbm>> -> memref<1024x32xf32, #tpu.memory_space<hbm>>
        %dma_wait3A_201 = arith.constant 0 : i32
        %dma_wait3A_202 = tpu.memref_slice %arg6[%add3A_15, %dma_wait3A_201] : memref<425984x32xf32, #tpu.memory_space<hbm>> -> memref<1024x32xf32, #tpu.memory_space<hbm>>
        tpu.wait_dma2 semaphore(%run_scoped3A : memref<!tpu.dma_semaphore, #tpu.memory_space<semaphore_mem>>) src(%arg8 : memref<1024x32xf32, #tpu.memory_space<vmem>>) dst(%dma_wait3A_202 : memref<1024x32xf32, #tpu.memory_space<hbm>>)
        tpu.yield
      }) : () -> ()
    }
    %scan3A_11 = arith.constant 13 : i32
    return
  }
}

</mosaic_0001>

<sc_bundles>
// kernel: kernel.3.cloned.1.call-start
scs
__scs_entry_jumppad:
0x0: {  	(pc) =	sbr.rel $0x88, $3  }
0x1: {  	(tag) =	ssettag $0x0;
	lr =	simm.s32 $0x1  }
0x2: {  	[smem:$0x3F9E] =	sst lr;
	_ =	strace $0xD0000000  }
0x3: {  	_ = 	snop  }
0x4: {  	_ = 	snop  }
0x5: {  	_ = 	snop  }
0x6: {  	_ = 	snop  }
0x7: {  	_ = 	snop  }
__scs_overlays_trampoline_lowered:
0x8: {  	[smem:$0x3FAD] =	sst s0  }
0x9: {  	[smem:$0x3FAE] =	sst s1  }
0xa: {  	[smem:$0x3FAF] =	sst s2  }
0xb: {  	[smem:$0x3FB0] =	sst s3  }
0xc: {  	[smem:$0x3FB1] =	sst s4  }
0xd: {  	[smem:$0x3FB2] =	sst s5  }
0xe: {  	[smem:$0x3FB3] =	sst s6  }
0xf: {  	[smem:$0x3FB4] =	sst s7  }
0x10: {  	[smem:$0x3FB5] =	sst s8  }
0x11: {  	[smem:$0x3FB6] =	sst s9;
	s0 =	simm.s32 @!p0 $0x0  }
0x12: {  	s1 =	sld [smem:$0x3F9C];
	s0 =	simm.s32 @p0 $0x1  }
0x13: {  	[smem:$0x3FB7] =	sst s0;
	s0 =	simm.s32 @!p1 $0x0  }
0x14: {  	s2 =	sld [smem:$0x3F9B];
	s0 =	simm.s32 @p1 $0x1  }
0x15: {  	[smem:$0x3FB8] =	sst s0;
	s0 =	simm.s32 @!p2 $0x0  }
0x16: {  	s3 =	sld [smem:$0x3FDB];
	s0 =	simm.s32 @p2 $0x1  }
0x17: {  	s4 =	simm.s32 $0x1BF5;
	[smem:$0x3FBA] =	sst s0  }
0x18: {  	s0 =	sld [smem:$0x3F9D];
	_ =	swait.ge [sflag:s4], $0x0  }
0x19: {  	s7 =	sld [smem:$0x3F9E]  }
0x1a: {  	s8 =	sadd.s32 $0xFFFFE003, lr  }
0x1b: {  	s9 =	sadd.s32 $0xFFFFFEF7, lr;
	s5 =	simm.s32 $0xFFFFFFFF;
	p2 =	slt.u32 s8, $0xFFFFF086  }
0x1c: {  	p1 =	slt.u32 s9, $0xF7A;
	s5 =	simm.s32 @!p2 $0x0  }
0x1d: {  	s5 =	simm.s32 @p1 $0x1;
	p0 =	seq.s32 s7, s2  }
0x1e: {  	s7 =	smul.u32 @!p0 $0xF7A, s2;
	p2 =	seq.s32 @!p0 s5, $0x0  }
0x1f: {  	s9 =	smul.u32 $0xF7A, s1;
	s8 =	simm.s32 @!p0 $0x1BF5;
	p2 =	por !p2, p0  }
0x20: {  	[sflag:s8] =	ssyncset.s32 @!p0 $0xFFFFF086;
	s6 =	sadd.s32 @!p0 s3, s7;
	s7 =	simm.s32 @!p0 $0x108  }
0x21: {  	s3 =	sadd.s32 s3, s9;
	s6 =	sadd.s32 @!p0 $0x88, s6;
	s7 =	simm.s32 @p2 $0x1082  }
0x22: {  	[simem:s7], [sflag:s8] =	dma.local @!p0 [hbm:s6], $0xF7A  }
0x23: {  	s9 =	sor.u32 $0xD0000000, s2;
	s6 =	simm.s32 $0x108;
	_ =	swait.ge @!p0 [sflag:s8], $0x0  }
0x24: {  	s3 =	sadd.s32 $0x88, s3;
	s6 =	simm.s32 @!p1 $0x1082;
	[sflag:s4] =	ssyncset.s32 $0xFFFFF086  }
0x25: {  	[simem:s6], [sflag:s4] =	dma.local [hbm:s3], $0xF7A  }
0x26: {  	[smem:$0x3F9E] =	sst s1;
	(tag) =	ssettag s2;
	_ =	strace s9  }
0x27: {  	s1 =	sld [smem:$0x3FAE]  }
0x28: {  	s2 =	sld [smem:$0x3FAF]  }
0x29: {  	s4 =	sld [smem:$0x3FB1]  }
0x2a: {  	p0 =	seq.s32 s5, $0x0;
	s5 =	sld [smem:$0x3FB2]  }
0x2b: {  	s6 =	sld [smem:$0x3FB3]  }
0x2c: {  	s7 =	sld [smem:$0x3FB4]  }
0x2d: {  	s3 =	simm.s32 $0x108;
	s8 =	sld [smem:$0x3FB5]  }
0x2e: {  	s3 =	simm.s32 @!p0 $0x1082;
	s9 =	sld [smem:$0x3FB6]  }
0x2f: {  	lr =	sadd.s32 s0, s3;
	s0 =	sld [smem:$0x3FAD]  }
0x30: {  	s3 =	sld [smem:$0x3FB0]  }
0x31: {  	[smem:$0x3FB9] =	sst s10  }
0x32: {  	s10 =	sld [smem:$0x3FB7];
	_ =	sdelay $0x3  }
0x33: {  	p0 =	seq.s32 s10, $0x1;
	s10 =	sld [smem:$0x3FB9];
	_ =	sdelay $0x3  }
0x34: {  	[smem:$0x3FB9] =	sst s10  }
0x35: {  	s10 =	sld [smem:$0x3FB8];
	_ =	sdelay $0x3  }
0x36: {  	p1 =	seq.s32 s10, $0x1;
	s10 =	sld [smem:$0x3FB9];
	_ =	sdelay $0x3  }
0x37: {  	[smem:$0x3FB9] =	sst s10  }
0x38: {  	s10 =	sld [smem:$0x3FBA]  }
0x39: {  	_ = 	snop;
	(pc) =	sbr.ind lr, $3  }
0x3a: {  	_ = 	snop  }
0x3b: {  	_ = 	snop  }
0x3c: {  	p2 =	seq.s32 s10, $0x1;
	s10 =	sld [smem:$0x3FB9]  }
0x3d: {  	_ =	shalt  }
0x3e: {  	_ =	shalt  }
0x3f: {  	_ =	shalt  }
0x40: {  	_ =	shalt  }
0x41: {  	_ =	shalt  }
0x42: {  	_ =	shalt  }
0x43: {  	_ =	shalt  }
0x44: {  	_ =	shalt  }
0x45: {  	_ =	shalt  }
0x46: {  	_ =	shalt  }
0x47: {  	_ =	shalt  }
0x48: {  	_ =	shalt  }
0x49: {  	_ =	shalt  }
0x4a: {  	_ =	shalt  }
0x4b: {  	_ =	shalt  }
0x4c: {  	_ =	shalt  }
0x4d: {  	_ =	shalt  }
0x4e: {  	_ =	shalt  }
0x4f: {  	_ =	shalt  }
0x50: {  	_ =	shalt  }
0x51: {  	_ =	shalt  }
0x52: {  	_ =	shalt  }
0x53: {  	_ =	shalt  }
0x54: {  	_ =	shalt  }
0x55: {  	_ =	shalt  }
0x56: {  	_ =	shalt  }
0x57: {  	_ =	shalt  }
0x58: {  	_ =	shalt  }
0x59: {  	_ =	shalt  }
0x5a: {  	_ =	shalt  }
0x5b: {  	_ =	shalt  }
0x5c: {  	_ =	shalt  }
0x5d: {  	_ =	shalt  }
0x5e: {  	_ =	shalt  }
0x5f: {  	_ =	shalt  }
0x60: {  	_ =	shalt  }
0x61: {  	_ =	shalt  }
0x62: {  	_ =	shalt  }
0x63: {  	_ =	shalt  }
0x64: {  	_ =	shalt  }
0x65: {  	_ =	shalt  }
0x66: {  	_ =	shalt  }
0x67: {  	_ =	shalt  }
0x68: {  	_ =	shalt  }
0x69: {  	_ =	shalt  }
0x6a: {  	_ =	shalt  }
0x6b: {  	_ =	shalt  }
0x6c: {  	_ =	shalt  }
0x6d: {  	_ =	shalt  }
0x6e: {  	_ =	shalt  }
0x6f: {  	_ =	shalt  }
0x70: {  	_ =	shalt  }
0x71: {  	_ =	shalt  }
0x72: {  	_ =	shalt  }
0x73: {  	_ =	shalt  }
0x74: {  	_ =	shalt  }
0x75: {  	_ =	shalt  }
0x76: {  	_ =	shalt  }
0x77: {  	_ =	shalt  }
0x78: {  	_ =	shalt  }
0x79: {  	_ =	shalt  }
0x7a: {  	_ =	shalt  }
0x7b: {  	_ =	shalt  }
0x7c: {  	_ =	shalt  }
0x7d: {  	_ =	shalt  }
0x7e: {  	_ =	shalt  }
0x7f: {  	_ =	shalt  }
0x80: {  	_ =	shalt  }
0x81: {  	_ =	shalt  }
0x82: {  	_ =	shalt  }
0x83: {  	_ =	shalt  }
0x84: {  	_ =	shalt  }
0x85: {  	_ =	shalt  }
0x86: {  	_ =	shalt  }
0x87: {  	_ =	shalt  }
.Lfunc_end0:
.L_simem_size_0:
called_computation.1_lowered:
.L_overlay_start_0:
0x88: {  	s2 =	sld [smem:$0x3FD9]  }
0x89: {  	s3 =	sld [smem:$0x3FFE];
	_ =	sdelay $0x1  }
0x8a: {  	s1 =	srdreg.scid  }
0x8b: {  	s0 =	sand.u32 $0x1, s1  }
0x8c: {  	s17 =	sshll.u32 s0, $0xA;
	s2 =	sadd.s32 s3, s2  }
0x8d: {  	s2 =	sadd.s32 s2, s17  }
0x8e: {  	[smem:$0x3FC5] =	sst s2  }
0x8f: {  	_ = 	snop  }
0x90: {  	s2 =	sld [smem:$0x3FD0];
	(tm) =	ssettm $0x1  }
0x91: {  	s18 =	sld [smem:$0x3FFB];
	_ =	sdelay $0x3  }
0x92: {  	_ =	strace s18  }
0x93: {  	s3 =	sld [smem:$0x3FFC];
	_ =	sdelay $0x3  }
0x94: {  	_ =	strace s3  }
0x95: {  	s3 =	sld [smem:$0x3FFD];
	_ =	sdelay $0x3  }
0x96: {  	_ =	strace s3  }
0x97: {  	_ =	strace $0x8FFFFFFF  }
0x98: {  	s19 =	sld [smem:$0x3FDB];
	_ =	sdelay $0x1  }
0x99: {  	s4 =	simm.s32 $_scs_section_size  }
0x9a: {  	s5 =	simm.s32 $_size__tile_overlayer_lowered;
	s6 =	simm.s32 $_tile_overlayer_lowered  }
0x9b: {  	s22 =	simm.s32 $0x1BFF;
	s21 =	sshll.u32 s6, $0x1;
	s3 =	sadd.s32 s4, s19  }
0x9c: {  	s7 =	simm.s32 $0x0;
	s20 =	sshll.u32 s5, $0x1;
	s5 =	sadd.s32 s21, s3  }
0x9d: {  	[timem:s7], [sflag:s22] =	dma.local [hbm:s5], s20  }
0x9e: {  	_ =	swait.ge [sflag:s22], s20  }
0x9f: {  	s4 =	ssub.s32 $0x0, s20;
	[sflag:s22] =	ssyncset.done $0x0  }
0xa0: {  	[sflag:s22] =	ssyncadd.s32 s4;
	_ =	sdelay $0x1  }
0xa1: {  	s23 =	simm.s32 $0x1B8B  }
0xa2: {  	_ =	swait.ge [sflag:s23], $0x1  }
0xa3: {  	[sflag:s23] =	ssyncset.done $0x0  }
0xa4: {  	s25 =	simm.s32 $0x1B8E;
	s24 =	sld [smem:$0x3FFE];
	[sflag:s23] =	ssyncadd.s32 $0xFFFFFFFF  }
0xa5: {  	s26 =	simm.s32 $execute0_lowered;
	[smem:$0x3FD2] =	sst s25  }
0xa6: {  	s5 =	sshll.u32 s26, $0x1;
	_ =	strace $0x80000046;
	[dreg:$0x1] =	wrdreg $0xFFFFFFFF  }
0xa7: {  	s28 =	simm.s32 $_size_execute0_lowered;
	s3 =	sadd.s32 s3, s5;
	[dreg:$0x0] =	wrdreg $0x0  }
0xa8: {  	s5 =	sshll.u32 s28, $0x1;
	[dreg:$0x2] =	wrdreg s3  }
0xa9: {  	[dreg:$0x3] =	wrdreg s5  }
0xaa: {  	[dreg:$0x4] =	wrdreg $0xC0  }
0xab: {  	_ =	task [dreg:s7], $0x5FFFF  }
0xac: {  	[dreg:$0x1] =	wrdreg $0xFFFFFFFF  }
0xad: {  	[dreg:$0x0] =	wrdreg $0x60  }
0xae: {  	[dreg:$0x2] =	wrdreg s24  }
0xaf: {  	[dreg:$0x3] =	wrdreg s2  }
0xb0: {  	[dreg:$0x4] =	wrdreg $0x9  }
0xb1: {  	_ =	task.clear_ibuf [dreg:s7], $0x5FFFF;
	_ =	strace $0x90000046  }
0xb2: {  	s29 =	simm.s32 $0x9;
	_ =	strace $0x80000048  }
0xb3: {  	_ =	swait.ge [sflag:s29], $0x1  }
0xb4: {  	[sflag:s29] =	ssyncadd.s32 $0xFFFFFFFF  }
0xb5: {  	_ =	strace $0x90000048  }
0xb6: {  	_ =	sfence  }
0xb7: {  	s30 =	sld [smem:$0x0];
	_ =	sdelay $0x2  }
0xb8: {  	s31 =	sshll.u32 s1, $0xD;
	s1 =	sshrl.u32 s1, $0x2  }
0xb9: {  	s3 =	sand.u32 $0x4000, s31;
	s1 =	sadd.s32 s1, s30  }
0xba: {  	s0 =	sor.u32 s3, s0;
	s1 =	sshll.u32 s1, $0x11  }
0xbb: {  	s0 =	sor.u32 s1, s0  }
0xbc: {  	s0 =	sadd.s32 $0x8F2B, s0  }
0xbd: {  	[sflag:s0] =	ssyncadd.remote.s32 $0x1  }
0xbe: {  	_ =	sfence.sel $0xFFFF  }
0xbf: {  	[dreg:$0x0] =	wrdreg $0xFFFFFFFF;
	(pc) =	sbr.abs _section_cstart, $3  }
0xc0: {  	[dreg:$0x1] =	wrdreg $0xFFFFFFFF  }
0xc1: {  	_ =	task.clear_ibuf [dreg:s7], $0x2FFFF;
	_ =	strace $0x9FFFFFFF  }
0xc2: {  	(tm) =	ssettm $0x7FFFFFFF  }
0xc3: {  	_ =	shalt  }
tec
execute0_lowered:
.L_overlay_start_1:
0x0: {  	(tag) =	ssettag $0x1  }
0x1: {  	s0 =	rddreg [dreg:$0x0]  }
0x2: {  	s1 =	rddreg [dreg:$0x1];
	s2 =	simm.s32 $0x0  }
0x3: {  	s3 =	srdreg.scid;
	s7 =	stileid.u32;
	s11 =	simm.s32 $0x2  }
0x4: {  	s12 =	simm.s32 $0x80;
	s13 =	simm.s32 $0x400;
	s14 =	simm.s32 $0x1400  }
0x5: {  	s15 =	simm.s32 $0x100;
	s16 =	simm.s32 $0x2400;
	s17 =	simm.s32 $0x180  }
0x6: {  	s18 =	simm.s32 $0x3400;
	s19 =	simm.s32 $0x200;
	s20 =	simm.s32 $0x4400  }
0x7: {  	s21 =	simm.s32 $0x280;
	s22 =	simm.s32 $0x5400;
	s23 =	simm.s32 $0x300  }
0x8: {  	s24 =	simm.s32 $0x6400;
	s25 =	simm.s32 $0x380;
	s28 =	simm.s32 $0x8400  }
0x9: {  	s29 =	simm.s32 $0x1;
	s30 =	simm.s32 $0x0;
	[smem:$0x7FF] =	sst s2  }
0xa: {  	s4 =	sadd.s32 $0x1A00, s0;
	s3 =	sand.u32 $0x1, s3;
	s5 =	sadd.s32 $0xF50E00, s0  }
0xb: {  	s7 =	sshll.u32 s7, $0x1;
	s8 =	sadd.s32 $0xE00, s0;
	s6 =	ssub.s32 $0x2, s3  }
0xc: {  	_ =	strace $0x80000047;
	[dreg:$0x3] =	wrdreg s8;
	s26 =	sshrl.u32 s6, $0x1  }
0xd: {  	s3 =	sor.u32 s3, s7;
	s7 =	sadd.s32 $0xEA00, s0;
	s31 =	ssub.s32 s6, s26  }
0xe: {  	s8 =	smul.u32 $0x3400, s3;
	s26 =	simm.s32 $0x7400;
	s9 =	smax.u32 s31, $0x1  }
.LBB2_1:
0xf: {  	s0 =	rddreg [dreg:$0x3];
	s3 =	simm.s32 $0x10400  }
0x10: {  	[tilespmem:s3], [sflag:$0x2] =	stream.linear.gather [hbm4b:s0+s2], $0x20, $0x38;
	[tilespmem:$0x10420] =	vst v63  }
0x11: {  	_ =	swait.ge [sflag:s11], $0x20  }
0x12: {  	[sflag:s11] =	ssyncset.done $0x0  }
0x13: {  	[sflag:s11] =	ssyncadd.s32 $0xFFFFFFE0  }
0x14: {  	v0 =	vld [tilespmem:$0x10400]  }
0x15: {  	s31 =	simm.s32 $0x0;
	v1 =	vld [tilespmem:$0x10410]  }
.LBB2_2:
0x16: {  	s0 =	sshll.u32 s31, $0xA  }
0x17: {  	s0 =	sadd.s32 s8, s0  }
0x18: {  	s3 =	sshrl.u32 s0, $0x3  }
0x19: {  	s6 =	simm.s32 $0x0;
	s3 =	sadd.s32 s4, s3  }
0x1a: {  	[tilespmem:s6], [sflag:$0x2] =	stream.linear.gather [hbm4b:s3+s6], $0x400, $0x38;
	[tilespmem:$0x10420] =	vst v63  }
0x1b: {  	_ =	swait.ge [sflag:s11], $0x400  }
0x1c: {  	[sflag:s11] =	ssyncset.done $0x0  }
0x1d: {  	[sflag:s11] =	ssyncadd.s32 $0xFFFFFC00  }
0x1e: {  	[tilespmem:s13], [sflag:$0x1] =	stream.indirect.gather [hbm4b:s5+s12], $0x20, s6, s12, $0xb8;
	[tilespmem:$0x10420] =	vst v63  }
0x1f: {  	_ = 	snop  }
0x20: {  	[tilespmem:s14], [sflag:$0x1] =	stream.indirect.gather [hbm4b:s5+s12], $0x20, s12, s12, $0xb8;
	[tilespmem:$0x10420] =	vst v63  }
0x21: {  	_ = 	snop  }
0x22: {  	[tilespmem:s16], [sflag:$0x1] =	stream.indirect.gather [hbm4b:s5+s12], $0x20, s15, s12, $0xb8;
	[tilespmem:$0x10420] =	vst v63  }
0x23: {  	_ = 	snop  }
0x24: {  	[tilespmem:s18], [sflag:$0x1] =	stream.indirect.gather [hbm4b:s5+s12], $0x20, s17, s12, $0xb8;
	[tilespmem:$0x10420] =	vst v63  }
0x25: {  	_ = 	snop  }
0x26: {  	[tilespmem:s20], [sflag:$0x1] =	stream.indirect.gather [hbm4b:s5+s12], $0x20, s19, s12, $0xb8;
	[tilespmem:$0x10420] =	vst v63  }
0x27: {  	_ = 	snop  }
0x28: {  	[tilespmem:s22], [sflag:$0x1] =	stream.indirect.gather [hbm4b:s5+s12], $0x20, s21, s12, $0xb8;
	[tilespmem:$0x10420] =	vst v63  }
0x29: {  	_ = 	snop  }
0x2a: {  	[tilespmem:s24], [sflag:$0x1] =	stream.indirect.gather [hbm4b:s5+s12], $0x20, s23, s12, $0xb8;
	[tilespmem:$0x10420] =	vst v63  }
0x2b: {  	s0 =	sshll.u32 s0, $0x2  }
0x2c: {  	[tilespmem:s26], [sflag:$0x1] =	stream.indirect.gather [hbm4b:s5+s12], $0x20, s25, s12, $0xb8;
	[tilespmem:$0x10420] =	vst v63  }
0x2d: {  	s10 =	sadd.s32 s1, s0  }
0x2e: {  	[tilespmem:s28], [sflag:$0x2] =	stream.linear.gather [hbm4b:s10+s6], $0x8000, $0x38;
	[tilespmem:$0x10420] =	vst v63  }
0x2f: {  	_ =	swait.ge [sflag:s11], $0x8000  }
0x30: {  	[sflag:s11] =	ssyncset.done $0x0  }
0x31: {  	[sflag:s11] =	ssyncadd.s32 $0xFFFF8000  }
0x32: {  	_ =	swait.ge [sflag:s29], $0x1000  }
0x33: {  	[sflag:s29] =	ssyncset.done $0x0  }
0x34: {  	[sflag:s29] =	ssyncadd.s32 $0xFFFFF000  }
0x35: {  	_ =	swait.ge [sflag:s29], $0x1000  }
0x36: {  	[sflag:s29] =	ssyncset.done $0x0  }
0x37: {  	[sflag:s29] =	ssyncadd.s32 $0xFFFFF000  }
0x38: {  	_ =	swait.ge [sflag:s29], $0x1000  }
0x39: {  	[sflag:s29] =	ssyncset.done $0x0  }
0x3a: {  	[sflag:s29] =	ssyncadd.s32 $0xFFFFF000  }
0x3b: {  	_ =	swait.ge [sflag:s29], $0x1000  }
0x3c: {  	[sflag:s29] =	ssyncset.done $0x0  }
0x3d: {  	[sflag:s29] =	ssyncadd.s32 $0xFFFFF000  }
0x3e: {  	_ =	swait.ge [sflag:s29], $0x1000  }
0x3f: {  	[sflag:s29] =	ssyncset.done $0x0  }
0x40: {  	[sflag:s29] =	ssyncadd.s32 $0xFFFFF000  }
0x41: {  	_ =	swait.ge [sflag:s29], $0x1000  }
0x42: {  	[sflag:s29] =	ssyncset.done $0x0  }
0x43: {  	[sflag:s29] =	ssyncadd.s32 $0xFFFFF000  }
0x44: {  	_ =	swait.ge [sflag:s29], $0x1000  }
0x45: {  	[sflag:s29] =	ssyncset.done $0x0  }
0x46: {  	[sflag:s29] =	ssyncadd.s32 $0xFFFFF000  }
0x47: {  	_ =	swait.ge [sflag:s29], $0x1000  }
0x48: {  	[sflag:s29] =	ssyncset.done $0x0  }
0x49: {  	s3 =	simm.s32 $0x0;
	[sflag:s29] =	ssyncadd.s32 $0xFFFFF000  }
0x4a: {  	v2 =	vld [tilespmem:s3+$0x8400]  }
0x4b: {  	v3 =	vld [tilespmem:s3+$0x8410]  }
0x4c: {  	v4 =	vld [tilespmem:s3+$0x400]  }
0x4d: {  	v5 =	vld [tilespmem:s3+$0x410];
	_ =	sdelay $0x1  }
0x4e: {  	v2 =	vmul.f32 v2, v0  }
0x4f: {  	v6 =	vmul.f32 v3, v1  }
0x50: {  	s10 =	simm.s32 $0x20;
	v3 =	vadd.f32 v2, v4  }
0x51: {  	s6 =	simm.s32 $0x100;
	v2 =	vld [tilespmem:s10+$0x8400];
	v4 =	vadd.f32 v6, v5  }
.LBB2_3:
0x52: {  	p0 =	sne.s32 s6, $0x1FF80;
	v5 =	vld [tilespmem:s10+$0x8410];
	[tilespmem:s3+$0x400] =	vst v3  }
0x53: {  	v3 =	vld [tilespmem:s10+$0x400];
	[tilespmem:s3+$0x410] =	vst v4;
	s3 =	smov.u32 s10  }
0x54: {  	v4 =	vld [tilespmem:s3+$0x410]  }
.Ltmp0:
0x55: {  	(pc) =	sbr.rel @p0 .LBB2_3-.Ltmp0, $4  }
0x56: {  	v2 =	vmul.f32 v2, v0  }
0x57: {  	v5 =	vmul.f32 v5, v1  }
0x58: {  	s10 =	sshra.s32 s6, $0x2;
	v3 =	vadd.f32 v2, v3  }
0x59: {  	s6 =	sadd.s32 $0x80, s6;
	v2 =	vld [tilespmem:s10+$0x8400];
	v4 =	vadd.f32 v5, v4  }
0x5a: {  	v5 =	vld [tilespmem:s10+$0x8410];
	[tilespmem:s3+$0x400] =	vst v3  }
0x5b: {  	v3 =	vld [tilespmem:s10+$0x400];
	[tilespmem:s3+$0x410] =	vst v4  }
0x5c: {  	v4 =	vld [tilespmem:s10+$0x410];
	_ =	sdelay $0x1  }
0x5d: {  	v2 =	vmul.f32 v2, v0  }
0x5e: {  	v5 =	vmul.f32 v5, v1  }
0x5f: {  	v2 =	vadd.f32 v2, v3  }
0x60: {  	s31 =	sadd.s32 $0x1, s31;
	v3 =	vadd.f32 v5, v4  }
0x61: {  	p0 =	sne.s32 s31, $0xD;
	[tilespmem:s10+$0x400] =	vst v2  }
.Ltmp1:
0x62: {  	s0 =	sadd.s32 s7, s0;
	[tilespmem:s10+$0x410] =	vst v3;
	(pc) =	sbr.rel @p0 .LBB2_2-.Ltmp1, $4  }
0x63: {  	[hbm4b:s0+s2] =	stream.linear.scatter [tilespmem:s13], [sflag:$0x2], $0x8000, $0x38;
	[tilespmem:$0x10420] =	vst v63  }
0x64: {  	_ =	swait.ge [sflag:s11], $0x8000  }
0x65: {  	[sflag:s11] =	ssyncset.done $0x0  }
0x66: {  	[sflag:s11] =	ssyncadd.s32 $0xFFFF8000  }
0x67: {  	s30 =	sadd.s32 $0x1, s30  }
0x68: {  	p0 =	sne.s32 s30, s9  }
.Ltmp2:
0x69: {  	_ = 	snop;
	(pc) =	sbr.rel @p0 .LBB2_1-.Ltmp2, $1  }
0x6a: {  	_ =	sdelay $0x3  }
0x6b: {  	_ =	sfence.sel $0x180000  }
0x6c: {  	[bflag:$0x0] =	sbarrier.arrive $0xFFFF  }
0x6d: {  	_ =	strace $0x90000047  }
0x6e: {  	s0 =	stileid.u32;
	[bflag:$0x2] =	sbarrier.arrive $0xFFFF  }
0x6f: {  	p0 =	sne.s32 s0, $0x0;
	s0 =	rddreg [dreg:$0x2]  }
0x70: {  	s0 =	sadd.s32 @!p0 $0x100000, s0  }
0x71: {  	[sflag:s0] =	ssyncadd.tile.s32 @!p0 $0x1;
	_ =	shalt  }
.Lfunc_end2:
_tile_overlayer_lowered:
.L_overlay_start_2:
0x72: {  	(tag) =	ssettag $0x2  }
0x73: {  	s0 =	rddreg [dreg:$0x0];
	s2 =	stileid.u32  }
0x74: {  	s1 =	rddreg [dreg:$0x1];
	p0 =	sne.s32 s2, $0x0  }
0x75: {  	s3 =	rddreg [dreg:$0x2];
	[bflag:$0x3] =	sbarrier.arrive $0xFFFF;
	s2 =	simm.s32 @!p0 $0x1C02  }
0x76: {  	[timem:s3], [sflag:s2] =	dma.local @!p0 [hbm:s0], s1  }
0x77: {  	s0 =	simm.s32 @!p0 $0x2  }
0x78: {  	_ =	swait.ge @!p0 [sflag:s0], s1  }
0x79: {  	s1 =	ssub.s32 @!p0 $0x0, s1;
	[sflag:s0] =	ssyncset.done @!p0 $0x0  }
0x7a: {  	[sflag:s0] =	ssyncadd.s32 @!p0 s1  }
0x7b: {  	[bflag:$0x3] =	sbarrier.arrive $0xFFFF  }
0x7c: {  	_ =	shalt  }

// kernel: sparse-core-data-format-call.cloned.1.call-start
scs
called_computation_lowered:
.L_overlay_start_0:
0x0: {  	s2 =	sld [smem:$0x3FD9]  }
0x1: {  	s3 =	sld [smem:$0x3FFE];
	_ =	sdelay $0x1  }
0x2: {  	s1 =	srdreg.scid  }
0x3: {  	s0 =	sand.u32 $0x1, s1  }
0x4: {  	s18 =	sshll.u32 s0, $0xA;
	s2 =	sadd.s32 s3, s2  }
0x5: {  	s2 =	sadd.s32 s2, s18  }
0x6: {  	[smem:$0x3FC5] =	sst s2  }
0x7: {  	_ = 	snop  }
0x8: {  	s2 =	sld [smem:$0x3FD0];
	(tm) =	ssettm $0x1  }
0x9: {  	s19 =	sld [smem:$0x3FFB];
	_ =	sdelay $0x3  }
0xa: {  	_ =	strace s19  }
0xb: {  	s3 =	sld [smem:$0x3FFC];
	_ =	sdelay $0x3  }
0xc: {  	_ =	strace s3  }
0xd: {  	s3 =	sld [smem:$0x3FFD];
	_ =	sdelay $0x3  }
0xe: {  	_ =	strace s3  }
0xf: {  	_ =	strace $0x8FFFFFFF  }
0x10: {  	s20 =	sld [smem:$0x3FDB];
	_ =	sdelay $0x1  }
0x11: {  	s4 =	simm.s32 $_scs_section_size  }
0x12: {  	s5 =	simm.s32 $_size__tile_overlayer_lowered;
	s6 =	simm.s32 $_tile_overlayer_lowered  }
0x13: {  	s23 =	simm.s32 $0x1BFF;
	s22 =	sshll.u32 s6, $0x1;
	s3 =	sadd.s32 s4, s20  }
0x14: {  	s7 =	simm.s32 $0x0;
	s21 =	sshll.u32 s5, $0x1;
	s5 =	sadd.s32 s22, s3  }
0x15: {  	[timem:s7], [sflag:s23] =	dma.local [hbm:s5], s21  }
0x16: {  	_ =	swait.ge [sflag:s23], s21  }
0x17: {  	s4 =	ssub.s32 $0x0, s21;
	[sflag:s23] =	ssyncset.done $0x0  }
0x18: {  	[sflag:s23] =	ssyncadd.s32 s4;
	_ =	sdelay $0x1  }
0x19: {  	s24 =	simm.s32 $0x1B8B  }
0x1a: {  	_ =	swait.ge [sflag:s24], $0x1  }
0x1b: {  	[sflag:s24] =	ssyncset.done $0x0  }
0x1c: {  	s26 =	simm.s32 $0x1B8E;
	s25 =	sld [smem:$0x3FFE];
	[sflag:s24] =	ssyncadd.s32 $0xFFFFFFFF  }
0x1d: {  	s27 =	simm.s32 $execute0_lowered;
	[smem:$0x3FD2] =	sst s26  }
0x1e: {  	s5 =	sshll.u32 s27, $0x1;
	_ =	strace $0x80000049;
	[dreg:$0x1] =	wrdreg $0xFFFFFFFF  }
0x1f: {  	s28 =	simm.s32 $_size_execute0_lowered;
	s3 =	sadd.s32 s3, s5;
	[dreg:$0x0] =	wrdreg $0x0  }
0x20: {  	s5 =	sshll.u32 s28, $0x1;
	[dreg:$0x2] =	wrdreg s3  }
0x21: {  	[dreg:$0x3] =	wrdreg s5  }
0x22: {  	[dreg:$0x4] =	wrdreg $0xC0  }
0x23: {  	_ =	task [dreg:s7], $0x5FFFF  }
0x24: {  	[dreg:$0x1] =	wrdreg $0xFFFFFFFF  }
0x25: {  	[dreg:$0x0] =	wrdreg $0x60  }
0x26: {  	[dreg:$0x2] =	wrdreg s25  }
0x27: {  	[dreg:$0x3] =	wrdreg s2  }
0x28: {  	[dreg:$0x4] =	wrdreg $0x9  }
0x29: {  	_ =	task.clear_ibuf [dreg:s7], $0x5FFFF;
	_ =	strace $0x90000049  }
0x2a: {  	s29 =	simm.s32 $0x9;
	_ =	strace $0x8000004B  }
0x2b: {  	_ =	swait.ge [sflag:s29], $0x1  }
0x2c: {  	[sflag:s29] =	ssyncadd.s32 $0xFFFFFFFF  }
0x2d: {  	_ =	strace $0x9000004B  }
0x2e: {  	_ =	sfence  }
0x2f: {  	s30 =	sld [smem:$0x0];
	_ =	sdelay $0x2  }
0x30: {  	s31 =	sshll.u32 s1, $0xD;
	s1 =	sshrl.u32 s1, $0x2  }
0x31: {  	s3 =	sand.u32 $0x4000, s31;
	s1 =	sadd.s32 s1, s30  }
0x32: {  	s0 =	sor.u32 s3, s0;
	s1 =	sshll.u32 s1, $0x11  }
0x33: {  	s0 =	sor.u32 s1, s0  }
0x34: {  	s0 =	sadd.s32 $0x8F2B, s0  }
0x35: {  	[sflag:s0] =	ssyncadd.remote.s32 $0x1  }
0x36: {  	_ =	sfence.sel $0xFFFF  }
0x37: {  	[dreg:$0x0] =	wrdreg $0xFFFFFFFF;
	(pc) =	sbr.abs _section_cstart, $3  }
0x38: {  	[dreg:$0x1] =	wrdreg $0xFFFFFFFF  }
0x39: {  	_ =	task.clear_ibuf [dreg:s7], $0x2FFFF;
	_ =	strace $0x9FFFFFFF  }
0x3a: {  	(tm) =	ssettm $0x7FFFFFFF  }
0x3b: {  	_ =	shalt  }
tec
execute0_lowered:
.L_overlay_start_1:
0x0: {  	(tag) =	ssettag $0x1  }
0x1: {  	s0 =	srdreg.scid  }
0x2: {  	s1 =	sshll.u32 s0, $0x4  }
0x3: {  	s0 =	stileid.u32;
	s1 =	sand.u32 $0x10, s1  }
0x4: {  	s1 =	sor.u32 s0, s1  }
0x5: {  	s6 =	rddreg [dreg:$0x0];
	s4 =	simm.s32 $0x1;
	s2 =	sshll.u32 s1, $0x7  }
0x6: {  	s7 =	simm.s32 $0x2;
	s12 =	simm.s32 $0x0;
	s1 =	ssub.s32 $0x4000, s2  }
0x7: {  	s8 =	simm.s32 $0x20000;
	s13 =	simm.s32 $0x0;
	s3 =	sand.u32 $0xF80, s1  }
0x8: {  	s9 =	simm.s32 $0x0;
	s5 =	sshrl.u32 s1, $0xC;
	p0 =	sne.s32 s3, $0x0  }
.Ltmp0:
0x9: {  	s1 =	rddreg [dreg:$0x2];
	s4 =	simm.s32 @!p0 $0x0;
	(pc) =	sbr.rel .LBB1_1-.Ltmp0, $4  }
0xa: {  	s11 =	simm.s32 $0x0;
	s3 =	rddreg [dreg:$0x1];
	s5 =	sadd.s32 s4, s5  }
0xb: {  	_ =	strace $0x8000004A;
	s4 =	simm.s32 $0x1;
	s5 =	smul.u32 $0x1A, s5  }
0xc: {  	s6 =	sadd.s32 $0x1AEA00, s6;
	s10 =	smov.u32 s2;
	[sflag:s4] =	ssyncpa.u1 $0x0  }
0xd: {  	p0 =	por $0x0, $0x0;
	[sflag:s7] =	ssyncpa.u1 $0x0;
	s7 =	sor.u32 $0x1, s5  }
.LBB1_4:
0xe: {  	s16 =	sshll.u32 s13, $0x3;
	s17 =	sand.u32 $0x78, s13  }
0xf: {  	s30 =	sand.u32 $0xF800, s13;
	s12 =	sshll.u32 s12, $0x10;
	s16 =	sand.u32 $0x3C00, s16  }
0x10: {  	s31 =	sand.u32 $0x7, s13;
	s16 =	sor.u32 s17, s16;
	s17 =	sadd.s32 s3, s30  }
0x11: {  	s13 =	sshll.u32 s31, $0x12;
	s16 =	sshrl.u32 s16, $0x3;
	s12 =	sadd.s32 s12, s17  }
0x12: {  	[tilespmem:s15+$0x0 ss:$0x81] =	vst.msk $0xffff, v0;
	s13 =	sor.u32 $0x400, s13;
	s12 =	sadd.s32 s16, s12  }
0x13: {  	[hbm4b:s12+s13] =	stream.strided.scatter [tilespmem:s14], [sflag:$0x2], $0x1000, s8, s13, $0x20;
	[tilespmem:$0x4040] =	vst v63  }
.LBB1_5:
0x14: {  	s14 =	sadd.s32 $0x1, s9  }
0x15: {  	s12 =	sadd.s32 $0x1000, s10;
	s16 =	smov.u32 s10;
	p2 =	sgt.s32 s14, $0x19  }
0x16: {  	s16 =	smov.u32 @p2 s12  }
0x17: {  	s14 =	simm.s32 @p2 $0x0;
	p2 =	sgt.s32 s16, $0x3FFF  }
0x18: {  	s16 =	smov.u32 @p2 s2;
	p2 =	sne.s32 s11, s7  }
.Ltmp1:
0x19: {  	p1 =	slt.u32 s11, $0x2;
	(pc) =	sbr.rel @!p2 .LBB1_6-.Ltmp1, $4  }
0x1a: {  	s15 =	simm.s32 @!p1 $0x2  }
0x1b: {  	s13 =	smov.u32 s10;
	p0 =	por !p0, !p0;
	_ =	swait.ge @!p1 [sflag:s15], $0x1000  }
0x1c: {  	s12 =	smov.u32 s9;
	[sflag:s15] =	ssyncset.done @!p1 $0x0;
	s9 =	smov.u32 s14  }
0x1d: {  	s11 =	sadd.s32 $0x1, s11;
	[sflag:s15] =	ssyncadd.s32 @!p1 $0xFFFFF000;
	s10 =	smov.u32 s16  }
.LBB1_1:
0x1e: {  	p1 =	sge.u32 s11, s5  }
0x1f: {  	s31 =	sadd.s32 $0xFFFFFFFF, s11;
	s14 =	sxor.u32 @!p1 $0xFFFFFFFF, s11  }
0x20: {  	s15 =	sshll.u32 @!p1 s10, $0x9;
	s16 =	sshll.u32 @!p1 s9, $0x4;
	s17 =	simm.s32 @!p1 $0x1000  }
0x21: {  	s14 =	sshll.u32 @!p1 s14, $0xC;
	s16 =	sand.u32 @!p1 $0x1F0, s16;
	s15 =	sadd.s32 @!p1 s6, s15  }
0x22: {  	s14 =	sand.u32 @!p1 $0x1000, s14;
	s15 =	sadd.s32 @!p1 s16, s15;
	s16 =	simm.s32 @!p1 $0x20  }
0x23: {  	[tilespmem:s14], [sflag:$0x1] =	stream.strided.gather @!p1 [hbm4b:s15+s16], $0x1000, s17, s16, $0x38;
	[tilespmem:$0x4040] =	vst v63  }
0x24: {  	p1 =	sge.u32 s31, s5  }
.Ltmp2:
0x25: {  	_ = 	snop;
	(pc) =	sbr.rel @p1 .LBB1_5-.Ltmp2, $1  }
0x26: {  	_ =	sdelay $0x3  }
0x27: {  	s14 =	simm.s32 $0x1  }
0x28: {  	_ =	swait.ge [sflag:s4], $0x1000;
	s14 =	simm.s32 @!p0 $0x0  }
0x29: {  	[sflag:s4] =	ssyncset.done $0x0;
	s15 =	sshll.u32 s14, $0xC  }
0x2a: {  	[sflag:s4] =	ssyncadd.s32 $0xFFFFF000;
	s18 =	sor.u32 $0x10, s15  }
0x2b: {  	s14 =	smul.u32 $0x4080, s14;
	v1 =	vld [tilespmem:s18+$0x0]  }
0x2c: {  	s30 =	sand.u32 $0x1, s11;
	v0 =	vld [tilespmem:s18+$0xFFFFFFF0]  }
0x2d: {  	s15 =	smul.u32 $0x4080, s30;
	s14 =	sshrl.u32 s14, $0x2  }
0x2e: {  	s16 =	sor.u32 $0x2000, s14  }
0x2f: {  	s31 =	sshrl.u32 s15, $0x2;
	s15 =	sadd.s32 $0x0, s16  }
0x30: {  	s17 =	simm.s32 $0x4;
	s18 =	sadd.s32 $0x20, s18;
	s14 =	sor.u32 $0x2000, s31;
	[tilespmem:s15+$0x810 ss:$0x81] =	vst.msk $0xffff, v1  }
.LBB1_3:
0x31: {  	v1 =	vld [tilespmem:s18+$0x0];
	p1 =	sne.s32 s17, $0x1FC;
	[tilespmem:s15+$0x0 ss:$0x81] =	vst.msk $0xffff, v0;
	s15 =	smov.u32 s17;
	s17 =	sadd.s32 $0x4, s17  }
.Ltmp3:
0x32: {  	v0 =	vld [tilespmem:s18+$0xFFFFFFF0];
	(pc) =	sbr.rel @p1 .LBB1_3-.Ltmp3, $4  }
0x33: {  	_ = 	snop  }
0x34: {  	s15 =	sshra.s32 s15, $0x2  }
0x35: {  	s15 =	sadd.s32 s15, s16  }
0x36: {  	s18 =	sadd.s32 $0x20, s18;
	[tilespmem:s15+$0x810 ss:$0x81] =	vst.msk $0xffff, v1  }
.Ltmp4:
0x37: {  	_ = 	snop;
	(pc) =	sbr.rel .LBB1_4-.Ltmp4, $1  }
0x38: {  	_ =	sdelay $0x3  }
.LBB1_6:
0x39: {  	_ =	sfence.sel $0x180000  }
0x3a: {  	s2 =	simm.s32 $0x1;
	[bflag:$0x0] =	sbarrier.arrive $0xFFFF  }
0x3b: {  	s31 =	simm.s32 $0x2;
	[sflag:s2] =	ssyncpa.u1 $0x1  }
0x3c: {  	[sflag:s31] =	ssyncpa.u1 $0x1  }
0x3d: {  	p0 =	sne.s32 s0, $0x0;
	_ =	strace $0x9000004A  }
0x3e: {  	s0 =	sadd.s32 @!p0 $0x100000, s1;
	[bflag:$0x2] =	sbarrier.arrive $0xFFFF  }
0x3f: {  	[sflag:s0] =	ssyncadd.tile.s32 @!p0 $0x1;
	_ =	shalt  }
.Lfunc_end1:
_tile_overlayer_lowered:
.L_overlay_start_2:
0x40: {  	(tag) =	ssettag $0x2  }
0x41: {  	s0 =	rddreg [dreg:$0x0];
	s2 =	stileid.u32  }
0x42: {  	s1 =	rddreg [dreg:$0x1];
	p0 =	sne.s32 s2, $0x0  }
0x43: {  	s3 =	rddreg [dreg:$0x2];
	[bflag:$0x3] =	sbarrier.arrive $0xFFFF;
	s2 =	simm.s32 @!p0 $0x1C01  }
0x44: {  	[timem:s3], [sflag:s2] =	dma.local @!p0 [hbm:s0], s1  }
0x45: {  	s0 =	simm.s32 @!p0 $0x1  }
0x46: {  	_ =	swait.ge @!p0 [sflag:s0], s1  }
0x47: {  	s1 =	ssub.s32 @!p0 $0x0, s1;
	[sflag:s0] =	ssyncset.done @!p0 $0x0  }
0x48: {  	[sflag:s0] =	ssyncadd.s32 @!p0 s1  }
0x49: {  	[bflag:$0x3] =	sbarrier.arrive $0xFFFF  }
0x4a: {  	_ =	shalt  }

</sc_bundles>
